<compile_context>
chip_gen: v7x
topology: tpu7x:2x2x1
jax: 0.10.2.dev20260603
libtpu: 0.0.44.dev20260713+nightly
codegen_flags: <defaults>
</compile_context>

<pallas_src>
import functools

import jax
import jax.numpy as jnp
import numpy as np
from jax import lax
from jax.experimental import pallas as pl
from jax.experimental.pallas import tpu as pltpu
from jax.experimental.pallas import tpu_sc as plsc

_B, _C, _H, _W = 8, 3, 512, 512
_P = 16
_EMBED = 1024
_HEAD_DIM = 64
_HP = _H // _P
_WP = _W // _P
_N = _B * _HP * _WP
_K = _C * _P * _P
_M_BLK = _HP * _WP

_B_TC = 3
_B_SC = _B - _B_TC

_KP = _C * _P
_ROWS = _B_SC * _HP * _WP * _KP
_NC, _NS = 2, 16
_NW = _NC * _NS
_PER_W = _ROWS // _NW
_NCHUNK = 3
_CH = _PER_W // _NCHUNK


def _gather_index():
    r = jnp.arange(_ROWS, dtype=jnp.int32)
    t, k = r // _KP + _B_TC * _HP * _WP, r % _KP
    b, hw = t // (_HP * _WP), t % (_HP * _WP)
    hy, wx = hw // _WP, hw % _WP
    c, py = k // _P, k % _P
    return ((b * _C + c) * _H + hy * _P + py) * _WP + wx


def _sc_patchify(table, idx):
    mesh = plsc.VectorSubcoreMesh(core_axis_name="c", subcore_axis_name="s")

    @functools.partial(
        pl.kernel,
        mesh=mesh,
        compiler_params=pltpu.CompilerParams(use_tc_tiling_on_sc=False),
        out_type=jax.ShapeDtypeStruct((_ROWS, _P), jnp.float32),
        scratch_types=[
            pltpu.VMEM((_CH,), jnp.int32),
            pltpu.VMEM((_CH, _P), jnp.float32),
            pltpu.SemaphoreType.DMA,
        ],
    )
    def gather_kernel(table_hbm, idx_hbm, out_hbm, idx_v, rows_v, sem):
        wid = lax.axis_index("s") * _NC + lax.axis_index("c")
        base = wid * _PER_W
        for j in range(_NCHUNK):
            off = base + j * _CH
            pltpu.sync_copy(idx_hbm.at[pl.ds(off, _CH)], idx_v)
            pltpu.async_copy(table_hbm.at[idx_v], rows_v, sem).wait()
            pltpu.sync_copy(rows_v, out_hbm.at[pl.ds(off, _CH)])

    return gather_kernel(table, idx)


def _fused_body(img_ref, w_ref, b_ref, o_ref):
    a = img_ref[0].astype(jnp.bfloat16)
    a = a.reshape(_C, _HP, _P, _WP, _P)
    a = a.transpose(1, 3, 0, 2, 4)
    a = a.reshape(_M_BLK, _K)
    acc = jax.lax.dot_general(
        a, w_ref[...],
        (((1,), (1,)), ((), ())),
        preferred_element_type=jnp.float32,
    )
    o_ref[...] = acc + b_ref[...]


def _project_tc(images, w_bf16, bias_row):
    img5 = images.reshape(_B, _C, _HP, _P, _W)
    return pl.pallas_call(
        _fused_body,
        grid=(_B_TC,),
        in_specs=[
            pl.BlockSpec((1, _C, _HP, _P, _W), lambda m: (m, 0, 0, 0, 0)),
            pl.BlockSpec((_EMBED, _K), lambda m: (0, 0)),
            pl.BlockSpec((1, _EMBED), lambda m: (0, 0)),
        ],
        out_specs=pl.BlockSpec((_M_BLK, _EMBED), lambda m: (m, 0)),
        out_shape=jax.ShapeDtypeStruct((_N, _EMBED), jnp.float32),
    )(img5, w_bf16, bias_row)


def _gemm_body(a_ref, w_ref, b_ref, tok_ref, o_ref):
    a = a_ref[...].astype(jnp.bfloat16)
    acc = jax.lax.dot_general(
        a, w_ref[...],
        (((1,), (1,)), ((), ())),
        preferred_element_type=jnp.float32,
    )
    o_ref[...] = acc + b_ref[...]


def _project_sc_rows(raw_hi, w_bf16, bias_row, tokens_partial):
    return pl.pallas_call(
        _gemm_body,
        grid=(_B_SC,),
        in_specs=[
            pl.BlockSpec((_M_BLK, _K), lambda m: (m, 0)),
            pl.BlockSpec((_EMBED, _K), lambda m: (0, 0)),
            pl.BlockSpec((1, _EMBED), lambda m: (0, 0)),
            pl.BlockSpec(memory_space=pltpu.MemorySpace.HBM),
        ],
        out_specs=pl.BlockSpec((_M_BLK, _EMBED), lambda m: (m + _B_TC, 0)),
        out_shape=jax.ShapeDtypeStruct((_N, _EMBED), jnp.float32),
        input_output_aliases={3: 0},
    )(raw_hi, w_bf16, bias_row, tokens_partial)


def _side_outputs():
    ys, xs = jnp.meshgrid(jnp.arange(_HP), jnp.arange(_WP), indexing="ij")
    coords = jnp.stack([ys, xs], axis=-1).reshape(-1, 2)
    patch_coords = jnp.tile(coords, (_B, 1))
    d_axis = _HEAD_DIM // 2
    n_freq = d_axis // 2
    inv_freq = 1.0 / (10000.0 ** (jnp.arange(n_freq, dtype=jnp.float32) / n_freq))
    cf = patch_coords.astype(jnp.float32)
    ang_y = cf[:, 0:1] * inv_freq[None, :]
    ang_x = cf[:, 1:2] * inv_freq[None, :]
    ang = jnp.concatenate([ang_y, ang_x], axis=-1)
    emb = jnp.concatenate([ang, ang], axis=-1)
    rope_cos, rope_sin = jnp.cos(emb), jnp.sin(emb)
    cu_seqlens = jnp.arange(_B + 1, dtype=jnp.int32) * (_HP * _WP)
    is_patch = jnp.ones((_N,), dtype=jnp.bool_)
    return cu_seqlens, patch_coords, rope_cos, rope_sin, is_patch


def kernel(images, W, b):
    w_bf = W.astype(jnp.bfloat16)
    bias_row = b.reshape(1, _EMBED)
    table = images.reshape(_B * _C * _H * _WP, _P)
    raw_hi = _sc_patchify(table, _gather_index())
    raw_hi = raw_hi.reshape(_B_SC * _M_BLK, _K)
    tokens_partial = _project_tc(images, w_bf, bias_row)
    tokens = _project_sc_rows(raw_hi, w_bf, bias_row, tokens_partial)
    cu_seqlens, patch_coords, rope_cos, rope_sin, is_patch = _side_outputs()
    return tokens, cu_seqlens, patch_coords, rope_cos, rope_sin, is_patch

# --- scband reference (transcript-rebuilt; emitter-appended) ---
"""Pipeline reference for scband-varlen-patchifier-45638322487588 (READ-ONLY COPY).

The authoritative reference and input builder live on the scoring server;
editing this copy changes nothing except your own understanding.
"""

import jax, jax.numpy as jnp
import numpy as np

B, C, H, W_IMG = 8, 3, 512, 512
P = 16
EMBED_DIM = 1024
NUM_HEADS = 16
HEAD_DIM = EMBED_DIM // NUM_HEADS  # 64
HP = H // P  # 32
WP = W_IMG // P  # 32
N_PER_IMG = HP * WP  # 1024
PATCH_FEAT = C * P * P  # 768


def setup_inputs(seed: int = 0) -> dict:
    key = jax.random.key(seed)
    k1, k2, k3 = jax.random.split(key, 3)
    images = jax.random.normal(k1, (B, C, H, W_IMG), dtype=jnp.float32)
    # nn.Linear(in=768, out=1024): weight [out, in], bias [out]
    W = jax.random.normal(k2, (EMBED_DIM, PATCH_FEAT), dtype=jnp.float32) * (1.0 / np.sqrt(PATCH_FEAT))
    b = jax.random.normal(k3, (EMBED_DIM,), dtype=jnp.float32) * 0.01
    return {"images": images, "W": W, "b": b}


def _patchify_all(images):
    # images [B, C, Hp*p, Wp*p] -> [B*Hp*Wp, C*p*p]
    x = images.reshape(B, C, HP, P, WP, P)
    x = jnp.transpose(x, (0, 2, 4, 1, 3, 5))  # B, Hp, Wp, C, p, p
    return x.reshape(B * HP * WP, C * P * P)


def _coords_all():
    ys, xs = jnp.meshgrid(jnp.arange(HP), jnp.arange(WP), indexing="ij")
    coords = jnp.stack([ys, xs], axis=-1).reshape(-1, 2)  # [Hp*Wp, 2]
    return jnp.tile(coords, (B, 1))  # [B*Hp*Wp, 2]


def _rope_2d(coords, head_dim, base=10000.0):
    # 2-axis RoPE: each axis gets head_dim//2 dims, head_dim//4 frequencies
    d_axis = head_dim // 2  # 32
    n_freq = d_axis // 2    # 16
    inv_freq = 1.0 / (base ** (jnp.arange(n_freq, dtype=jnp.float32) / n_freq))
    cf = coords.astype(jnp.float32)
    ang_y = cf[:, 0:1] * inv_freq[None, :]  # [N, 16]
    ang_x = cf[:, 1:2] * inv_freq[None, :]  # [N, 16]
    ang = jnp.concatenate([ang_y, ang_x], axis=-1)  # [N, 32]
    emb = jnp.concatenate([ang, ang], axis=-1)      # [N, 64]
    return jnp.cos(emb), jnp.sin(emb)


def reference(images, W, b):
    # method='resize' with H,W already multiples of patch_size and within budget:
    # no interpolation is triggered; pure patchify + linear projection.
    raw = _patchify_all(images)                 # [8192, 768]
    tokens = raw @ W.T + b[None, :]             # [8192, 1024]
    patch_coords = _coords_all()                # [8192, 2]
    rope_cos, rope_sin = _rope_2d(patch_coords, HEAD_DIM)
    cu_seqlens = (jnp.arange(B + 1, dtype=jnp.int32) * N_PER_IMG)
    is_patch = jnp.ones((tokens.shape[0],), dtype=jnp.bool_)
    return tokens, cu_seqlens, patch_coords, rope_cos, rope_sin, is_patch

if __name__ == "__main__":
    import jax
    _d = setup_inputs()
    print(jax.jit(kernel)(*tuple(_d.values())))

</pallas_src>

<mosaic_0001>
#map = affine_map<(d0, d1) -> (0, 0)>
#map1 = affine_map<(d0, d1) -> (0)>
module attributes {stable_mosaic.version = 14 : i64} {
  func.func @gather_kernel(%arg0: i32, %arg1: i32, %arg2: memref<393216x16xf32, #tpu.memory_space<hbm>>, %arg3: memref<245760xi32, #tpu.memory_space<hbm>>, %arg4: memref<245760x16xf32, #tpu.memory_space<hbm>>, %arg5: memref<2560xi32, #tpu.memory_space<vmem>>, %arg6: memref<2560x16xf32, #tpu.memory_space<vmem>>, %arg7: memref<!tpu.dma_semaphore, #tpu.memory_space<semaphore_mem>>) attributes {dimension_semantics = [#tpu.dimension_semantics<core_parallel>, #tpu.dimension_semantics<subcore_parallel>], iteration_bounds = array<i64: 2, 16>, scalar_prefetch = 0 : i64, scratch_operands = 3 : i64, tpu.core_type = #tpu.core_type<sc_vector_subcore>, window_params = [{transform_indices = #map}, {transform_indices = #map1}, {transform_indices = #map}]} {
    %mul3A = arith.constant 2 : i32
    %mul3A_0 = arith.muli %arg1, %mul3A : i32
    %add3A = arith.addi %mul3A_0, %arg0 : i32
    %mul3A_1 = arith.constant 7680 : i32
    %mul3A_2 = arith.muli %add3A, %mul3A_1 : i32
    %add3A_3 = arith.constant 0 : i32
    %add3A_4 = arith.addi %mul3A_2, %add3A_3 : i32
    "tpu.region"() ({
      %run_scoped3A = tpu.sem_alloc : memref<!tpu.dma_semaphore, #tpu.memory_space<semaphore_mem>>
      %dma_start3A_25 = tpu.memref_slice %arg3[%add3A_4] : memref<245760xi32, #tpu.memory_space<hbm>> -> memref<2560xi32, #tpu.memory_space<hbm>>
      %dma_start3A_26 = tpu.memref_slice %arg3[%add3A_4] : memref<245760xi32, #tpu.memory_space<hbm>> -> memref<2560xi32, #tpu.memory_space<hbm>>
      tpu.enqueue_dma source(%dma_start3A_26 : memref<2560xi32, #tpu.memory_space<hbm>>) target(%arg5 : memref<2560xi32, #tpu.memory_space<vmem>>) target_semaphore(%run_scoped3A : memref<!tpu.dma_semaphore, #tpu.memory_space<semaphore_mem>>)
      %dma_wait3A_27 = tpu.memref_slice %arg3[%add3A_4] : memref<245760xi32, #tpu.memory_space<hbm>> -> memref<2560xi32, #tpu.memory_space<hbm>>
      %dma_wait3A_28 = tpu.memref_slice %arg3[%add3A_4] : memref<245760xi32, #tpu.memory_space<hbm>> -> memref<2560xi32, #tpu.memory_space<hbm>>
      tpu.wait_dma2 semaphore(%run_scoped3A : memref<!tpu.dma_semaphore, #tpu.memory_space<semaphore_mem>>) src(%dma_wait3A_28 : memref<2560xi32, #tpu.memory_space<hbm>>) dst(%arg5 : memref<2560xi32, #tpu.memory_space<vmem>>)
      tpu.yield
    }) : () -> ()
    %dma_start3A = arith.constant 0 : i32
    %dma_start3A_5 = arith.constant 0 : i32
    %dma_start3A_6 = tpu.memref_slice %arg2[%dma_start3A, %dma_start3A_5] : memref<393216x16xf32, #tpu.memory_space<hbm>> -> memref<393216x16xf32, #tpu.memory_space<hbm>>
    tpu.enqueue_indirect_dma source(%dma_start3A_6 : memref<393216x16xf32, #tpu.memory_space<hbm>>) target(%arg6 : memref<2560x16xf32, #tpu.memory_space<vmem>>) offsets(%arg5 : memref<2560xi32, #tpu.memory_space<vmem>>) semaphore(%arg7 : memref<!tpu.dma_semaphore, #tpu.memory_space<semaphore_mem>>)
    %dma_wait3A = arith.constant 0 : i32
    %dma_wait3A_7 = arith.constant 0 : i32
    %dma_wait3A_8 = tpu.memref_slice %arg2[%dma_wait3A, %dma_wait3A_7] : memref<393216x16xf32, #tpu.memory_space<hbm>> -> memref<393216x16xf32, #tpu.memory_space<hbm>>
    tpu.wait_indirect_dma semaphore(%arg7 : memref<!tpu.dma_semaphore, #tpu.memory_space<semaphore_mem>>) src(%dma_wait3A_8 : memref<393216x16xf32, #tpu.memory_space<hbm>>) dst(%arg6 : memref<2560x16xf32, #tpu.memory_space<vmem>>)
    "tpu.region"() ({
      %run_scoped3A = tpu.sem_alloc : memref<!tpu.dma_semaphore, #tpu.memory_space<semaphore_mem>>
      %dma_start3A_25 = arith.constant 0 : i32
      %dma_start3A_26 = tpu.memref_slice %arg4[%add3A_4, %dma_start3A_25] : memref<245760x16xf32, #tpu.memory_space<hbm>> -> memref<2560x16xf32, #tpu.memory_space<hbm>>
      %dma_start3A_27 = arith.constant 0 : i32
      %dma_start3A_28 = tpu.memref_slice %arg4[%add3A_4, %dma_start3A_27] : memref<245760x16xf32, #tpu.memory_space<hbm>> -> memref<2560x16xf32, #tpu.memory_space<hbm>>
      tpu.enqueue_dma source(%arg6 : memref<2560x16xf32, #tpu.memory_space<vmem>>) target(%dma_start3A_28 : memref<2560x16xf32, #tpu.memory_space<hbm>>) target_semaphore(%run_scoped3A : memref<!tpu.dma_semaphore, #tpu.memory_space<semaphore_mem>>)
      %dma_wait3A_29 = arith.constant 0 : i32
      %dma_wait3A_30 = tpu.memref_slice %arg4[%add3A_4, %dma_wait3A_29] : memref<245760x16xf32, #tpu.memory_space<hbm>> -> memref<2560x16xf32, #tpu.memory_space<hbm>>
      %dma_wait3A_31 = arith.constant 0 : i32
      %dma_wait3A_32 = tpu.memref_slice %arg4[%add3A_4, %dma_wait3A_31] : memref<245760x16xf32, #tpu.memory_space<hbm>> -> memref<2560x16xf32, #tpu.memory_space<hbm>>
      tpu.wait_dma2 semaphore(%run_scoped3A : memref<!tpu.dma_semaphore, #tpu.memory_space<semaphore_mem>>) src(%arg6 : memref<2560x16xf32, #tpu.memory_space<vmem>>) dst(%dma_wait3A_32 : memref<2560x16xf32, #tpu.memory_space<hbm>>)
      tpu.yield
    }) : () -> ()
    %add3A_9 = arith.constant 2560 : i32
    %add3A_10 = arith.addi %mul3A_2, %add3A_9 : i32
    "tpu.region"() ({
      %run_scoped3A = tpu.sem_alloc : memref<!tpu.dma_semaphore, #tpu.memory_space<semaphore_mem>>
      %dma_start3A_25 = tpu.memref_slice %arg3[%add3A_10] : memref<245760xi32, #tpu.memory_space<hbm>> -> memref<2560xi32, #tpu.memory_space<hbm>>
      %dma_start3A_26 = tpu.memref_slice %arg3[%add3A_10] : memref<245760xi32, #tpu.memory_space<hbm>> -> memref<2560xi32, #tpu.memory_space<hbm>>
      tpu.enqueue_dma source(%dma_start3A_26 : memref<2560xi32, #tpu.memory_space<hbm>>) target(%arg5 : memref<2560xi32, #tpu.memory_space<vmem>>) target_semaphore(%run_scoped3A : memref<!tpu.dma_semaphore, #tpu.memory_space<semaphore_mem>>)
      %dma_wait3A_27 = tpu.memref_slice %arg3[%add3A_10] : memref<245760xi32, #tpu.memory_space<hbm>> -> memref<2560xi32, #tpu.memory_space<hbm>>
      %dma_wait3A_28 = tpu.memref_slice %arg3[%add3A_10] : memref<245760xi32, #tpu.memory_space<hbm>> -> memref<2560xi32, #tpu.memory_space<hbm>>
      tpu.wait_dma2 semaphore(%run_scoped3A : memref<!tpu.dma_semaphore, #tpu.memory_space<semaphore_mem>>) src(%dma_wait3A_28 : memref<2560xi32, #tpu.memory_space<hbm>>) dst(%arg5 : memref<2560xi32, #tpu.memory_space<vmem>>)
      tpu.yield
    }) : () -> ()
    %dma_start3A_11 = arith.constant 0 : i32
    %dma_start3A_12 = arith.constant 0 : i32
    %dma_start3A_13 = tpu.memref_slice %arg2[%dma_start3A_11, %dma_start3A_12] : memref<393216x16xf32, #tpu.memory_space<hbm>> -> memref<393216x16xf32, #tpu.memory_space<hbm>>
    tpu.enqueue_indirect_dma source(%dma_start3A_13 : memref<393216x16xf32, #tpu.memory_space<hbm>>) target(%arg6 : memref<2560x16xf32, #tpu.memory_space<vmem>>) offsets(%arg5 : memref<2560xi32, #tpu.memory_space<vmem>>) semaphore(%arg7 : memref<!tpu.dma_semaphore, #tpu.memory_space<semaphore_mem>>)
    %dma_wait3A_14 = arith.constant 0 : i32
    %dma_wait3A_15 = arith.constant 0 : i32
    %dma_wait3A_16 = tpu.memref_slice %arg2[%dma_wait3A_14, %dma_wait3A_15] : memref<393216x16xf32, #tpu.memory_space<hbm>> -> memref<393216x16xf32, #tpu.memory_space<hbm>>
    tpu.wait_indirect_dma semaphore(%arg7 : memref<!tpu.dma_semaphore, #tpu.memory_space<semaphore_mem>>) src(%dma_wait3A_16 : memref<393216x16xf32, #tpu.memory_space<hbm>>) dst(%arg6 : memref<2560x16xf32, #tpu.memory_space<vmem>>)
    "tpu.region"() ({
      %run_scoped3A = tpu.sem_alloc : memref<!tpu.dma_semaphore, #tpu.memory_space<semaphore_mem>>
      %dma_start3A_25 = arith.constant 0 : i32
      %dma_start3A_26 = tpu.memref_slice %arg4[%add3A_10, %dma_start3A_25] : memref<245760x16xf32, #tpu.memory_space<hbm>> -> memref<2560x16xf32, #tpu.memory_space<hbm>>
      %dma_start3A_27 = arith.constant 0 : i32
      %dma_start3A_28 = tpu.memref_slice %arg4[%add3A_10, %dma_start3A_27] : memref<245760x16xf32, #tpu.memory_space<hbm>> -> memref<2560x16xf32, #tpu.memory_space<hbm>>
      tpu.enqueue_dma source(%arg6 : memref<2560x16xf32, #tpu.memory_space<vmem>>) target(%dma_start3A_28 : memref<2560x16xf32, #tpu.memory_space<hbm>>) target_semaphore(%run_scoped3A : memref<!tpu.dma_semaphore, #tpu.memory_space<semaphore_mem>>)
      %dma_wait3A_29 = arith.constant 0 : i32
      %dma_wait3A_30 = tpu.memref_slice %arg4[%add3A_10, %dma_wait3A_29] : memref<245760x16xf32, #tpu.memory_space<hbm>> -> memref<2560x16xf32, #tpu.memory_space<hbm>>
      %dma_wait3A_31 = arith.constant 0 : i32
      %dma_wait3A_32 = tpu.memref_slice %arg4[%add3A_10, %dma_wait3A_31] : memref<245760x16xf32, #tpu.memory_space<hbm>> -> memref<2560x16xf32, #tpu.memory_space<hbm>>
      tpu.wait_dma2 semaphore(%run_scoped3A : memref<!tpu.dma_semaphore, #tpu.memory_space<semaphore_mem>>) src(%arg6 : memref<2560x16xf32, #tpu.memory_space<vmem>>) dst(%dma_wait3A_32 : memref<2560x16xf32, #tpu.memory_space<hbm>>)
      tpu.yield
    }) : () -> ()
    %add3A_17 = arith.constant 5120 : i32
    %add3A_18 = arith.addi %mul3A_2, %add3A_17 : i32
    "tpu.region"() ({
      %run_scoped3A = tpu.sem_alloc : memref<!tpu.dma_semaphore, #tpu.memory_space<semaphore_mem>>
      %dma_start3A_25 = tpu.memref_slice %arg3[%add3A_18] : memref<245760xi32, #tpu.memory_space<hbm>> -> memref<2560xi32, #tpu.memory_space<hbm>>
      %dma_start3A_26 = tpu.memref_slice %arg3[%add3A_18] : memref<245760xi32, #tpu.memory_space<hbm>> -> memref<2560xi32, #tpu.memory_space<hbm>>
      tpu.enqueue_dma source(%dma_start3A_26 : memref<2560xi32, #tpu.memory_space<hbm>>) target(%arg5 : memref<2560xi32, #tpu.memory_space<vmem>>) target_semaphore(%run_scoped3A : memref<!tpu.dma_semaphore, #tpu.memory_space<semaphore_mem>>)
      %dma_wait3A_27 = tpu.memref_slice %arg3[%add3A_18] : memref<245760xi32, #tpu.memory_space<hbm>> -> memref<2560xi32, #tpu.memory_space<hbm>>
      %dma_wait3A_28 = tpu.memref_slice %arg3[%add3A_18] : memref<245760xi32, #tpu.memory_space<hbm>> -> memref<2560xi32, #tpu.memory_space<hbm>>
      tpu.wait_dma2 semaphore(%run_scoped3A : memref<!tpu.dma_semaphore, #tpu.memory_space<semaphore_mem>>) src(%dma_wait3A_28 : memref<2560xi32, #tpu.memory_space<hbm>>) dst(%arg5 : memref<2560xi32, #tpu.memory_space<vmem>>)
      tpu.yield
    }) : () -> ()
    %dma_start3A_19 = arith.constant 0 : i32
    %dma_start3A_20 = arith.constant 0 : i32
    %dma_start3A_21 = tpu.memref_slice %arg2[%dma_start3A_19, %dma_start3A_20] : memref<393216x16xf32, #tpu.memory_space<hbm>> -> memref<393216x16xf32, #tpu.memory_space<hbm>>
    tpu.enqueue_indirect_dma source(%dma_start3A_21 : memref<393216x16xf32, #tpu.memory_space<hbm>>) target(%arg6 : memref<2560x16xf32, #tpu.memory_space<vmem>>) offsets(%arg5 : memref<2560xi32, #tpu.memory_space<vmem>>) semaphore(%arg7 : memref<!tpu.dma_semaphore, #tpu.memory_space<semaphore_mem>>)
    %dma_wait3A_22 = arith.constant 0 : i32
    %dma_wait3A_23 = arith.constant 0 : i32
    %dma_wait3A_24 = tpu.memref_slice %arg2[%dma_wait3A_22, %dma_wait3A_23] : memref<393216x16xf32, #tpu.memory_space<hbm>> -> memref<393216x16xf32, #tpu.memory_space<hbm>>
    tpu.wait_indirect_dma semaphore(%arg7 : memref<!tpu.dma_semaphore, #tpu.memory_space<semaphore_mem>>) src(%dma_wait3A_24 : memref<393216x16xf32, #tpu.memory_space<hbm>>) dst(%arg6 : memref<2560x16xf32, #tpu.memory_space<vmem>>)
    "tpu.region"() ({
      %run_scoped3A = tpu.sem_alloc : memref<!tpu.dma_semaphore, #tpu.memory_space<semaphore_mem>>
      %dma_start3A_25 = arith.constant 0 : i32
      %dma_start3A_26 = tpu.memref_slice %arg4[%add3A_18, %dma_start3A_25] : memref<245760x16xf32, #tpu.memory_space<hbm>> -> memref<2560x16xf32, #tpu.memory_space<hbm>>
      %dma_start3A_27 = arith.constant 0 : i32
      %dma_start3A_28 = tpu.memref_slice %arg4[%add3A_18, %dma_start3A_27] : memref<245760x16xf32, #tpu.memory_space<hbm>> -> memref<2560x16xf32, #tpu.memory_space<hbm>>
      tpu.enqueue_dma source(%arg6 : memref<2560x16xf32, #tpu.memory_space<vmem>>) target(%dma_start3A_28 : memref<2560x16xf32, #tpu.memory_space<hbm>>) target_semaphore(%run_scoped3A : memref<!tpu.dma_semaphore, #tpu.memory_space<semaphore_mem>>)
      %dma_wait3A_29 = arith.constant 0 : i32
      %dma_wait3A_30 = tpu.memref_slice %arg4[%add3A_18, %dma_wait3A_29] : memref<245760x16xf32, #tpu.memory_space<hbm>> -> memref<2560x16xf32, #tpu.memory_space<hbm>>
      %dma_wait3A_31 = arith.constant 0 : i32
      %dma_wait3A_32 = tpu.memref_slice %arg4[%add3A_18, %dma_wait3A_31] : memref<245760x16xf32, #tpu.memory_space<hbm>> -> memref<2560x16xf32, #tpu.memory_space<hbm>>
      tpu.wait_dma2 semaphore(%run_scoped3A : memref<!tpu.dma_semaphore, #tpu.memory_space<semaphore_mem>>) src(%arg6 : memref<2560x16xf32, #tpu.memory_space<vmem>>) dst(%dma_wait3A_32 : memref<2560x16xf32, #tpu.memory_space<hbm>>)
      tpu.yield
    }) : () -> ()
    return
  }
}

module attributes {stable_mosaic.version = 14 : i64} {
  func.func @_fused_body(%arg0: i32, %arg1: memref<1x3x32x16x512xf32, #tpu.memory_space<vmem>>, %arg2: memref<1024x768xbf16, #tpu.memory_space<vmem>>, %arg3: memref<1x1024xf32, #tpu.memory_space<vmem>>, %arg4: memref<1024x1024xf32, #tpu.memory_space<vmem>>) attributes {dimension_semantics = [#tpu.dimension_semantics<arbitrary>], iteration_bounds = array<i64: 3>, scalar_prefetch = 0 : i64, scratch_operands = 0 : i64, tpu.core_type = #tpu.core_type<tc>, window_params = [{transform_indices = @transform_0, window_bounds = array<i64: 1, 3, 32, 16, 512>}, {pipeline_mode = #tpu.pipeline_mode<synchronous>, transform_indices = @transform_1, window_bounds = array<i64: 1024, 768>}, {pipeline_mode = #tpu.pipeline_mode<synchronous>, transform_indices = @transform_2, window_bounds = array<i64: 1, 1024>}, {transform_indices = @transform_3, window_bounds = array<i64: 1024, 1024>}]} {
    %get3A = arith.constant 0 : index
    %get3A_0 = arith.constant 0 : index
    %get3A_1 = arith.constant 0 : index
    %get3A_2 = arith.constant 0 : index
    %get3A_3 = arith.constant 0 : index
    %get3A_4 = vector.load %arg1[%get3A, %get3A_0, %get3A_1, %get3A_2, %get3A_3] : memref<1x3x32x16x512xf32, #tpu.memory_space<vmem>>, vector<1x3x32x16x512xf32>
    %get3A_5 = vector.shape_cast %get3A_4 : vector<1x3x32x16x512xf32> to vector<3x32x16x512xf32>
    %convert_element_type3A = arith.truncf %get3A_5 : vector<3x32x16x512xf32> to vector<3x32x16x512xbf16>
    %reshape3A = vector.shape_cast %convert_element_type3A : vector<3x32x16x512xbf16> to vector<3x32x16x32x16xbf16>
    %transpose3A = tpu.transpose %reshape3A, [1, 3, 0, 2, 4] : vector<3x32x16x32x16xbf16> -> vector<32x32x3x16x16xbf16>
    %reshape3A_6 = vector.shape_cast %transpose3A : vector<32x32x3x16x16xbf16> to vector<1024x768xbf16>
    %get3A_7 = arith.constant 0 : index
    %get3A_8 = arith.constant 0 : index
    %get3A_9 = vector.load %arg2[%get3A_7, %get3A_8] : memref<1024x768xbf16, #tpu.memory_space<vmem>>, vector<1024x768xbf16>
    %dot_general3A = arith.constant dense<0.000000e+00> : vector<1024x1024xf32>
    %dot_general3A_10 = tpu.matmul %reshape3A_6, %get3A_9, %dot_general3A {dimension_numbers = #tpu.dot_dimension_numbers<[1], [1], [0], [0], [0, 0, 1, 0], [], []>, transpose_lhs_hint = false} : vector<1024x768xbf16>, vector<1024x768xbf16>, vector<1024x1024xf32> -> vector<1024x1024xf32>
    %get3A_11 = arith.constant 0 : index
    %get3A_12 = arith.constant 0 : index
    %get3A_13 = vector.load %arg3[%get3A_11, %get3A_12] : memref<1x1024xf32, #tpu.memory_space<vmem>>, vector<1x1024xf32>
    %add3A = vector.broadcast %get3A_13 : vector<1x1024xf32> to vector<1024x1024xf32>
    %add3A_14 = arith.addf %dot_general3A_10, %add3A : vector<1024x1024xf32>
    %swap3A = arith.constant 0 : index
    %swap3A_15 = arith.constant 0 : index
    %swap3A_16 = vector.load %arg4[%swap3A, %swap3A_15] : memref<1024x1024xf32, #tpu.memory_space<vmem>>, vector<1024x1024xf32>
    tpu.vector_store %arg4[%swap3A, %swap3A_15], %add3A_14 {strides = array<i32>} : memref<1024x1024xf32, #tpu.memory_space<vmem>>, vector<1024x1024xf32>,
    return
  }
  func.func @transform_0(%arg0: i32) -> (i32, i32, i32, i32, i32) {
    %c0_i32 = arith.constant 0 : i32
    %c0_i32_0 = arith.constant 0 : i32
    %c0_i32_1 = arith.constant 0 : i32
    %c0_i32_2 = arith.constant 0 : i32
    %c0_i32_3 = arith.constant 0 : i32
    return %arg0, %c0_i32, %c0_i32_0, %c0_i32_1, %c0_i32_2 : i32, i32, i32, i32, i32
  }
  func.func @transform_1(%arg0: i32) -> (i32, i32) {
    %c0_i32 = arith.constant 0 : i32
    %c0_i32_0 = arith.constant 0 : i32
    %c0_i32_1 = arith.constant 0 : i32
    return %c0_i32, %c0_i32_0 : i32, i32
  }
  func.func @transform_2(%arg0: i32) -> (i32, i32) {
    %c0_i32 = arith.constant 0 : i32
    %c0_i32_0 = arith.constant 0 : i32
    %c0_i32_1 = arith.constant 0 : i32
    return %c0_i32, %c0_i32_0 : i32, i32
  }
  func.func @transform_3(%arg0: i32) -> (i32, i32) {
    %c0_i32 = arith.constant 0 : i32
    %c0_i32_0 = arith.constant 0 : i32
    return %arg0, %c0_i32 : i32, i32
  }
}

module attributes {stable_mosaic.version = 14 : i64} {
  func.func @_gemm_body(%arg0: i32, %arg1: memref<1024x768xf32, #tpu.memory_space<vmem>>, %arg2: memref<1024x768xbf16, #tpu.memory_space<vmem>>, %arg3: memref<1x1024xf32, #tpu.memory_space<vmem>>, %arg4: memref<8192x1024xf32, #tpu.memory_space<hbm>>, %arg5: memref<1024x1024xf32, #tpu.memory_space<vmem>>) attributes {dimension_semantics = [#tpu.dimension_semantics<arbitrary>], iteration_bounds = array<i64: 5>, scalar_prefetch = 0 : i64, scratch_operands = 0 : i64, tpu.core_type = #tpu.core_type<tc>, window_params = [{transform_indices = @transform_0, window_bounds = array<i64: 1024, 768>}, {pipeline_mode = #tpu.pipeline_mode<synchronous>, transform_indices = @transform_1, window_bounds = array<i64: 1024, 768>}, {pipeline_mode = #tpu.pipeline_mode<synchronous>, transform_indices = @transform_2, window_bounds = array<i64: 1, 1024>}, {}, {transform_indices = @transform_4, window_bounds = array<i64: 1024, 1024>}]} {
    %get3A = arith.constant 0 : index
    %get3A_0 = arith.constant 0 : index
    %get3A_1 = vector.load %arg1[%get3A, %get3A_0] : memref<1024x768xf32, #tpu.memory_space<vmem>>, vector<1024x768xf32>
    %convert_element_type3A = arith.truncf %get3A_1 : vector<1024x768xf32> to vector<1024x768xbf16>
    %get3A_2 = arith.constant 0 : index
    %get3A_3 = arith.constant 0 : index
    %get3A_4 = vector.load %arg2[%get3A_2, %get3A_3] : memref<1024x768xbf16, #tpu.memory_space<vmem>>, vector<1024x768xbf16>
    %dot_general3A = arith.constant dense<0.000000e+00> : vector<1024x1024xf32>
    %dot_general3A_5 = tpu.matmul %convert_element_type3A, %get3A_4, %dot_general3A {dimension_numbers = #tpu.dot_dimension_numbers<[1], [1], [0], [0], [0, 0, 1, 0], [], []>, transpose_lhs_hint = false} : vector<1024x768xbf16>, vector<1024x768xbf16>, vector<1024x1024xf32> -> vector<1024x1024xf32>
    %get3A_6 = arith.constant 0 : index
    %get3A_7 = arith.constant 0 : index
    %get3A_8 = vector.load %arg3[%get3A_6, %get3A_7] : memref<1x1024xf32, #tpu.memory_space<vmem>>, vector<1x1024xf32>
    %add3A = vector.broadcast %get3A_8 : vector<1x1024xf32> to vector<1024x1024xf32>
    %add3A_9 = arith.addf %dot_general3A_5, %add3A : vector<1024x1024xf32>
    %swap3A = arith.constant 0 : index
    %swap3A_10 = arith.constant 0 : index
    %swap3A_11 = vector.load %arg5[%swap3A, %swap3A_10] : memref<1024x1024xf32, #tpu.memory_space<vmem>>, vector<1024x1024xf32>
    tpu.vector_store %arg5[%swap3A, %swap3A_10], %add3A_9 {strides = array<i32>} : memref<1024x1024xf32, #tpu.memory_space<vmem>>, vector<1024x1024xf32>,
    return
  }
  func.func @transform_0(%arg0: i32) -> (i32, i32) {
    %c0_i32 = arith.constant 0 : i32
    %c0_i32_0 = arith.constant 0 : i32
    return %arg0, %c0_i32 : i32, i32
  }
  func.func @transform_1(%arg0: i32) -> (i32, i32) {
    %c0_i32 = arith.constant 0 : i32
    %c0_i32_0 = arith.constant 0 : i32
    %c0_i32_1 = arith.constant 0 : i32
    return %c0_i32, %c0_i32_0 : i32, i32
  }
  func.func @transform_2(%arg0: i32) -> (i32, i32) {
    %c0_i32 = arith.constant 0 : i32
    %c0_i32_0 = arith.constant 0 : i32
    %c0_i32_1 = arith.constant 0 : i32
    return %c0_i32, %c0_i32_0 : i32, i32
  }
  func.func @transform_4(%arg0: i32) -> (i32, i32) {
    %add3A = arith.constant 3 : i32
    %add3A_0 = arith.addi %arg0, %add3A : i32
    %c0_i32 = arith.constant 0 : i32
    %c0_i32_1 = arith.constant 0 : i32
    return %add3A_0, %c0_i32 : i32, i32
  }
}

</mosaic_0001>

<sc_bundles>
// kernel: kernel.5.cloned.1.call-start
scs
__scs_entry_jumppad:
0x0: {  	(pc) =	sbr.rel $0x88, $3  }
0x1: {  	(tag) =	ssettag $0x0;
	lr =	simm.s32 $0x1  }
0x2: {  	[smem:$0x3F9E] =	sst lr;
	_ =	strace $0xD0000000  }
0x3: {  	_ = 	snop  }
0x4: {  	_ = 	snop  }
0x5: {  	_ = 	snop  }
0x6: {  	_ = 	snop  }
0x7: {  	_ = 	snop  }
__scs_overlays_trampoline_lowered:
0x8: {  	[smem:$0x3FAD] =	sst s0  }
0x9: {  	[smem:$0x3FAE] =	sst s1  }
0xa: {  	[smem:$0x3FAF] =	sst s2  }
0xb: {  	[smem:$0x3FB0] =	sst s3  }
0xc: {  	[smem:$0x3FB1] =	sst s4  }
0xd: {  	[smem:$0x3FB2] =	sst s5  }
0xe: {  	[smem:$0x3FB3] =	sst s6  }
0xf: {  	[smem:$0x3FB4] =	sst s7  }
0x10: {  	[smem:$0x3FB5] =	sst s8  }
0x11: {  	[smem:$0x3FB6] =	sst s9;
	s0 =	simm.s32 @!p0 $0x0  }
0x12: {  	s1 =	sld [smem:$0x3F9C];
	s0 =	simm.s32 @p0 $0x1  }
0x13: {  	[smem:$0x3FB7] =	sst s0;
	s0 =	simm.s32 @!p1 $0x0  }
0x14: {  	s2 =	sld [smem:$0x3F9B];
	s0 =	simm.s32 @p1 $0x1  }
0x15: {  	[smem:$0x3FB8] =	sst s0;
	s0 =	simm.s32 @!p2 $0x0  }
0x16: {  	s3 =	sld [smem:$0x3FDB];
	s0 =	simm.s32 @p2 $0x1  }
0x17: {  	s4 =	simm.s32 $0x1BF5;
	[smem:$0x3FBA] =	sst s0  }
0x18: {  	s0 =	sld [smem:$0x3F9D];
	_ =	swait.ge [sflag:s4], $0x0  }
0x19: {  	s7 =	sld [smem:$0x3F9E]  }
0x1a: {  	s8 =	sadd.s32 $0xFFFFE003, lr  }
0x1b: {  	s9 =	sadd.s32 $0xFFFFFEF7, lr;
	s5 =	simm.s32 $0xFFFFFFFF;
	p2 =	slt.u32 s8, $0xFFFFF086  }
0x1c: {  	p1 =	slt.u32 s9, $0xF7A;
	s5 =	simm.s32 @!p2 $0x0  }
0x1d: {  	s5 =	simm.s32 @p1 $0x1;
	p0 =	seq.s32 s7, s2  }
0x1e: {  	s7 =	smul.u32 @!p0 $0xF7A, s2;
	p2 =	seq.s32 @!p0 s5, $0x0  }
0x1f: {  	s9 =	smul.u32 $0xF7A, s1;
	s8 =	simm.s32 @!p0 $0x1BF5;
	p2 =	por !p2, p0  }
0x20: {  	[sflag:s8] =	ssyncset.s32 @!p0 $0xFFFFF086;
	s6 =	sadd.s32 @!p0 s3, s7;
	s7 =	simm.s32 @!p0 $0x108  }
0x21: {  	s3 =	sadd.s32 s3, s9;
	s6 =	sadd.s32 @!p0 $0x88, s6;
	s7 =	simm.s32 @p2 $0x1082  }
0x22: {  	[simem:s7], [sflag:s8] =	dma.local @!p0 [hbm:s6], $0xF7A  }
0x23: {  	s9 =	sor.u32 $0xD0000000, s2;
	s6 =	simm.s32 $0x108;
	_ =	swait.ge @!p0 [sflag:s8], $0x0  }
0x24: {  	s3 =	sadd.s32 $0x88, s3;
	s6 =	simm.s32 @!p1 $0x1082;
	[sflag:s4] =	ssyncset.s32 $0xFFFFF086  }
0x25: {  	[simem:s6], [sflag:s4] =	dma.local [hbm:s3], $0xF7A  }
0x26: {  	[smem:$0x3F9E] =	sst s1;
	(tag) =	ssettag s2;
	_ =	strace s9  }
0x27: {  	s1 =	sld [smem:$0x3FAE]  }
0x28: {  	s2 =	sld [smem:$0x3FAF]  }
0x29: {  	s4 =	sld [smem:$0x3FB1]  }
0x2a: {  	p0 =	seq.s32 s5, $0x0;
	s5 =	sld [smem:$0x3FB2]  }
0x2b: {  	s6 =	sld [smem:$0x3FB3]  }
0x2c: {  	s7 =	sld [smem:$0x3FB4]  }
0x2d: {  	s3 =	simm.s32 $0x108;
	s8 =	sld [smem:$0x3FB5]  }
0x2e: {  	s3 =	simm.s32 @!p0 $0x1082;
	s9 =	sld [smem:$0x3FB6]  }
0x2f: {  	lr =	sadd.s32 s0, s3;
	s0 =	sld [smem:$0x3FAD]  }
0x30: {  	s3 =	sld [smem:$0x3FB0]  }
0x31: {  	[smem:$0x3FB9] =	sst s10  }
0x32: {  	s10 =	sld [smem:$0x3FB7];
	_ =	sdelay $0x3  }
0x33: {  	p0 =	seq.s32 s10, $0x1;
	s10 =	sld [smem:$0x3FB9];
	_ =	sdelay $0x3  }
0x34: {  	[smem:$0x3FB9] =	sst s10  }
0x35: {  	s10 =	sld [smem:$0x3FB8];
	_ =	sdelay $0x3  }
0x36: {  	p1 =	seq.s32 s10, $0x1;
	s10 =	sld [smem:$0x3FB9];
	_ =	sdelay $0x3  }
0x37: {  	[smem:$0x3FB9] =	sst s10  }
0x38: {  	s10 =	sld [smem:$0x3FBA]  }
0x39: {  	_ = 	snop;
	(pc) =	sbr.ind lr, $3  }
0x3a: {  	_ = 	snop  }
0x3b: {  	_ = 	snop  }
0x3c: {  	p2 =	seq.s32 s10, $0x1;
	s10 =	sld [smem:$0x3FB9]  }
0x3d: {  	_ =	shalt  }
0x3e: {  	_ =	shalt  }
0x3f: {  	_ =	shalt  }
0x40: {  	_ =	shalt  }
0x41: {  	_ =	shalt  }
0x42: {  	_ =	shalt  }
0x43: {  	_ =	shalt  }
0x44: {  	_ =	shalt  }
0x45: {  	_ =	shalt  }
0x46: {  	_ =	shalt  }
0x47: {  	_ =	shalt  }
0x48: {  	_ =	shalt  }
0x49: {  	_ =	shalt  }
0x4a: {  	_ =	shalt  }
0x4b: {  	_ =	shalt  }
0x4c: {  	_ =	shalt  }
0x4d: {  	_ =	shalt  }
0x4e: {  	_ =	shalt  }
0x4f: {  	_ =	shalt  }
0x50: {  	_ =	shalt  }
0x51: {  	_ =	shalt  }
0x52: {  	_ =	shalt  }
0x53: {  	_ =	shalt  }
0x54: {  	_ =	shalt  }
0x55: {  	_ =	shalt  }
0x56: {  	_ =	shalt  }
0x57: {  	_ =	shalt  }
0x58: {  	_ =	shalt  }
0x59: {  	_ =	shalt  }
0x5a: {  	_ =	shalt  }
0x5b: {  	_ =	shalt  }
0x5c: {  	_ =	shalt  }
0x5d: {  	_ =	shalt  }
0x5e: {  	_ =	shalt  }
0x5f: {  	_ =	shalt  }
0x60: {  	_ =	shalt  }
0x61: {  	_ =	shalt  }
0x62: {  	_ =	shalt  }
0x63: {  	_ =	shalt  }
0x64: {  	_ =	shalt  }
0x65: {  	_ =	shalt  }
0x66: {  	_ =	shalt  }
0x67: {  	_ =	shalt  }
0x68: {  	_ =	shalt  }
0x69: {  	_ =	shalt  }
0x6a: {  	_ =	shalt  }
0x6b: {  	_ =	shalt  }
0x6c: {  	_ =	shalt  }
0x6d: {  	_ =	shalt  }
0x6e: {  	_ =	shalt  }
0x6f: {  	_ =	shalt  }
0x70: {  	_ =	shalt  }
0x71: {  	_ =	shalt  }
0x72: {  	_ =	shalt  }
0x73: {  	_ =	shalt  }
0x74: {  	_ =	shalt  }
0x75: {  	_ =	shalt  }
0x76: {  	_ =	shalt  }
0x77: {  	_ =	shalt  }
0x78: {  	_ =	shalt  }
0x79: {  	_ =	shalt  }
0x7a: {  	_ =	shalt  }
0x7b: {  	_ =	shalt  }
0x7c: {  	_ =	shalt  }
0x7d: {  	_ =	shalt  }
0x7e: {  	_ =	shalt  }
0x7f: {  	_ =	shalt  }
0x80: {  	_ =	shalt  }
0x81: {  	_ =	shalt  }
0x82: {  	_ =	shalt  }
0x83: {  	_ =	shalt  }
0x84: {  	_ =	shalt  }
0x85: {  	_ =	shalt  }
0x86: {  	_ =	shalt  }
0x87: {  	_ =	shalt  }
.Lfunc_end0:
.L_simem_size_0:
called_computation_lowered:
.L_overlay_start_0:
0x88: {  	s2 =	sld [smem:$0x3FD9]  }
0x89: {  	s3 =	sld [smem:$0x3FFE];
	_ =	sdelay $0x1  }
0x8a: {  	s1 =	srdreg.scid  }
0x8b: {  	s0 =	sand.u32 $0x1, s1  }
0x8c: {  	s16 =	sshll.u32 s0, $0xA;
	s2 =	sadd.s32 s3, s2  }
0x8d: {  	s2 =	sadd.s32 s2, s16  }
0x8e: {  	[smem:$0x3FC5] =	sst s2  }
0x8f: {  	_ = 	snop  }
0x90: {  	(tm) =	ssettm $0x1  }
0x91: {  	s17 =	sld [smem:$0x3FFB];
	_ =	sdelay $0x3  }
0x92: {  	_ =	strace s17  }
0x93: {  	s2 =	sld [smem:$0x3FFC];
	_ =	sdelay $0x3  }
0x94: {  	_ =	strace s2  }
0x95: {  	s2 =	sld [smem:$0x3FFD];
	_ =	sdelay $0x3  }
0x96: {  	_ =	strace s2  }
0x97: {  	_ =	strace $0x8FFFFFFF  }
0x98: {  	s18 =	sld [smem:$0x3FDB];
	_ =	sdelay $0x1  }
0x99: {  	s19 =	simm.s32 $_scs_section_size  }
0x9a: {  	s4 =	simm.s32 $_size__tile_overlayer_lowered;
	s5 =	simm.s32 $_tile_overlayer_lowered  }
0x9b: {  	s22 =	simm.s32 $0x1BFF;
	s21 =	sshll.u32 s5, $0x1;
	s2 =	sadd.s32 s19, s18  }
0x9c: {  	s6 =	simm.s32 $0x0;
	s20 =	sshll.u32 s4, $0x1;
	s4 =	sadd.s32 s21, s2  }
0x9d: {  	[timem:s6], [sflag:s22] =	dma.local [hbm:s4], s20  }
0x9e: {  	_ =	swait.ge [sflag:s22], s20  }
0x9f: {  	s3 =	ssub.s32 $0x0, s20;
	[sflag:s22] =	ssyncset.done $0x0  }
0xa0: {  	[sflag:s22] =	ssyncadd.s32 s3;
	_ =	sdelay $0x1  }
0xa1: {  	s23 =	simm.s32 $0x1B8B  }
0xa2: {  	_ =	swait.ge [sflag:s23], $0x1  }
0xa3: {  	[sflag:s23] =	ssyncset.done $0x0  }
0xa4: {  	s25 =	simm.s32 $0x1B8E;
	s24 =	sld [smem:$0x3FFE];
	[sflag:s23] =	ssyncadd.s32 $0xFFFFFFFF  }
0xa5: {  	s26 =	simm.s32 $execute0_lowered;
	[smem:$0x3FD2] =	sst s25  }
0xa6: {  	s4 =	sshll.u32 s26, $0x1;
	_ =	strace $0x80000046;
	[dreg:$0x1] =	wrdreg $0xFFFFFFFF  }
0xa7: {  	s28 =	simm.s32 $_size_execute0_lowered;
	s2 =	sadd.s32 s2, s4;
	[dreg:$0x0] =	wrdreg $0x0  }
0xa8: {  	s4 =	sshll.u32 s28, $0x1;
	[dreg:$0x2] =	wrdreg s2  }
0xa9: {  	[dreg:$0x3] =	wrdreg s4  }
0xaa: {  	[dreg:$0x4] =	wrdreg $0xC0  }
0xab: {  	_ =	task [dreg:s6], $0x5FFFF  }
0xac: {  	[dreg:$0x1] =	wrdreg $0xFFFFFFFF  }
0xad: {  	[dreg:$0x0] =	wrdreg $0x60  }
0xae: {  	[dreg:$0x2] =	wrdreg s24  }
0xaf: {  	[dreg:$0x3] =	wrdreg $0x9  }
0xb0: {  	_ =	task.clear_ibuf [dreg:s6], $0x4FFFF;
	_ =	strace $0x90000046  }
0xb1: {  	s29 =	simm.s32 $0x9;
	_ =	strace $0x80000048  }
0xb2: {  	_ =	swait.ge [sflag:s29], $0x1  }
0xb3: {  	[sflag:s29] =	ssyncadd.s32 $0xFFFFFFFF  }
0xb4: {  	_ =	strace $0x90000048  }
0xb5: {  	_ =	sfence  }
0xb6: {  	s30 =	sld [smem:$0x0];
	_ =	sdelay $0x2  }
0xb7: {  	s31 =	sshll.u32 s1, $0xD;
	s1 =	sshrl.u32 s1, $0x2  }
0xb8: {  	s3 =	sand.u32 $0x4000, s31;
	s1 =	sadd.s32 s1, s30  }
0xb9: {  	s0 =	sor.u32 s3, s0;
	s1 =	sshll.u32 s1, $0x11  }
0xba: {  	s0 =	sor.u32 s1, s0  }
0xbb: {  	s0 =	sadd.s32 $0x8F2B, s0  }
0xbc: {  	[sflag:s0] =	ssyncadd.remote.s32 $0x1  }
0xbd: {  	_ =	sfence.sel $0xFFFF  }
0xbe: {  	[dreg:$0x0] =	wrdreg $0xFFFFFFFF;
	(pc) =	sbr.abs _section_cstart, $3  }
0xbf: {  	[dreg:$0x1] =	wrdreg $0xFFFFFFFF  }
0xc0: {  	_ =	task.clear_ibuf [dreg:s6], $0x2FFFF;
	_ =	strace $0x9FFFFFFF  }
0xc1: {  	(tm) =	ssettm $0x7FFFFFFF  }
tec
execute0_lowered:
.L_overlay_start_1:
0x0: {  	(tag) =	ssettag $0x1  }
0x1: {  	s1 =	srdreg.scid;
	s0 =	stileid.u32  }
0x2: {  	s12 =	sand.u32 $0x1, s1;
	s28 =	sshll.u32 s0, $0x1  }
0x3: {  	s8 =	sor.u32 s12, s28  }
0x4: {  	s9 =	rddreg [dreg:$0x0];
	s11 =	smul.u32 $0x1E00, s8  }
0x5: {  	s2 =	simm.s32 $0x0;
	s1 =	rddreg [dreg:$0x1]  }
0x6: {  	[smem:$0x7FF] =	sst s2;
	s13 =	sadd.s32 $0x1000, s9;
	s3 =	sshrl.u32 s11, $0x3  }
0x7: {  	_ =	strace $0x80000047;
	s4 =	sadd.s32 s13, s3;
	s3 =	simm.s32 $0x2  }
0x8: {  	[tilespmem:s2], [sflag:$0x2] =	stream.linear.gather [hbm4b:s4+s2], $0xA00, $0x38;
	[tilespmem:$0xAA00] =	vst v63  }
0x9: {  	_ =	swait.ge [sflag:s3], $0xA00  }
0xa: {  	s6 =	simm.s32 $0xA00;
	[sflag:s3] =	ssyncset.done $0x0  }
0xb: {  	s7 =	simm.s32 $0x1;
	s5 =	sadd.s32 $0x8800, s9;
	[sflag:s3] =	ssyncadd.s32 $0xFFFFF600  }
0xc: {  	[tilespmem:s6], [sflag:$0x1] =	stream.indirect.gather [hbm4b:s5+s6], $0x10, s2, s6, $0xb8;
	[tilespmem:$0xAA00] =	vst v63  }
0xd: {  	s8 =	smul.u32 $0x3C00, s8;
	_ =	swait.ge [sflag:s7], $0xA000  }
0xe: {  	s14 =	sadd.s32 $0xC8800, s9;
	[sflag:s7] =	ssyncset.done $0x0  }
0xf: {  	s8 =	sadd.s32 s14, s8;
	[sflag:s7] =	ssyncadd.s32 $0xFFFF6000  }
0x10: {  	[hbm4b:s8+s2] =	stream.linear.scatter [tilespmem:s6], [sflag:$0x2], $0xA000, $0x38;
	[tilespmem:$0xAA00] =	vst v63  }
0x11: {  	s10 =	sadd.s32 $0xA00, s11;
	_ =	swait.ge [sflag:s3], $0xA000  }
0x12: {  	s29 =	sshrl.u32 s10, $0x3;
	[sflag:s3] =	ssyncset.done $0x0  }
0x13: {  	s9 =	sadd.s32 s13, s29;
	[sflag:s3] =	ssyncadd.s32 $0xFFFF6000  }
0x14: {  	[tilespmem:s2], [sflag:$0x2] =	stream.linear.gather [hbm4b:s9+s2], $0xA00, $0x38;
	[tilespmem:$0xAA00] =	vst v63  }
0x15: {  	_ =	swait.ge [sflag:s3], $0xA00  }
0x16: {  	[sflag:s3] =	ssyncset.done $0x0  }
0x17: {  	[sflag:s3] =	ssyncadd.s32 $0xFFFFF600  }
0x18: {  	[tilespmem:s6], [sflag:$0x1] =	stream.indirect.gather [hbm4b:s5+s6], $0x10, s2, s6, $0xb8;
	[tilespmem:$0xAA00] =	vst v63  }
0x19: {  	_ =	swait.ge [sflag:s7], $0xA000  }
0x1a: {  	s10 =	sshll.u32 s10, $0x1;
	[sflag:s7] =	ssyncset.done $0x0  }
0x1b: {  	s10 =	sadd.s32 s14, s10;
	[sflag:s7] =	ssyncadd.s32 $0xFFFF6000  }
0x1c: {  	[hbm4b:s10+s2] =	stream.linear.scatter [tilespmem:s6], [sflag:$0x2], $0xA000, $0x38;
	[tilespmem:$0xAA00] =	vst v63  }
0x1d: {  	s15 =	sadd.s32 $0x1400, s11;
	_ =	swait.ge [sflag:s3], $0xA000  }
0x1e: {  	s11 =	sshrl.u32 s15, $0x3;
	[sflag:s3] =	ssyncset.done $0x0  }
0x1f: {  	s12 =	ssub.s32 $0x2, s12;
	s11 =	sadd.s32 s13, s11;
	[sflag:s3] =	ssyncadd.s32 $0xFFFF6000  }
0x20: {  	[tilespmem:s2], [sflag:$0x2] =	stream.linear.gather [hbm4b:s11+s2], $0xA00, $0x38;
	[tilespmem:$0xAA00] =	vst v63  }
0x21: {  	s30 =	sshrl.u32 s12, $0x1;
	_ =	swait.ge [sflag:s3], $0xA00  }
0x22: {  	s13 =	ssub.s32 s12, s30;
	[sflag:s3] =	ssyncset.done $0x0  }
0x23: {  	s13 =	smax.u32 s13, $0x1;
	[sflag:s3] =	ssyncadd.s32 $0xFFFFF600  }
0x24: {  	[tilespmem:s6], [sflag:$0x1] =	stream.indirect.gather [hbm4b:s5+s6], $0x10, s2, s6, $0xb8;
	[tilespmem:$0xAA00] =	vst v63  }
0x25: {  	p0 =	sne.s32 s13, $0x1;
	_ =	swait.ge [sflag:s7], $0xA000  }
.Ltmp0:
0x26: {  	s31 =	sshll.u32 s15, $0x1;
	[sflag:s7] =	ssyncset.done $0x0;
	(pc) =	sbr.rel @!p0 .LBB2_2-.Ltmp0, $4  }
0x27: {  	s12 =	sadd.s32 s14, s31;
	[sflag:s7] =	ssyncadd.s32 $0xFFFF6000  }
0x28: {  	[hbm4b:s12+s2] =	stream.linear.scatter [tilespmem:s6], [sflag:$0x2], $0xA000, $0x38;
	[tilespmem:$0xAA00] =	vst v63  }
0x29: {  	_ =	swait.ge [sflag:s3], $0xA000  }
0x2a: {  	s13 =	sadd.s32 $0xFFFFFFFF, s13;
	[sflag:s3] =	ssyncset.done $0x0  }
.LBB2_1:
0x2b: {  	p0 =	sne.s32 s13, $0x1;
	s13 =	sadd.s32 $0xFFFFFFFF, s13;
	[sflag:s3] =	ssyncadd.s32 $0xFFFF6000  }
0x2c: {  	[tilespmem:s2], [sflag:$0x2] =	stream.linear.gather [hbm4b:s4+s2], $0xA00, $0x38;
	[tilespmem:$0xAA00] =	vst v63  }
0x2d: {  	_ =	swait.ge [sflag:s3], $0xA00  }
0x2e: {  	[sflag:s3] =	ssyncset.done $0x0  }
0x2f: {  	[sflag:s3] =	ssyncadd.s32 $0xFFFFF600  }
0x30: {  	[tilespmem:s6], [sflag:$0x1] =	stream.indirect.gather [hbm4b:s5+s6], $0x10, s2, s6, $0xb8;
	[tilespmem:$0xAA00] =	vst v63  }
0x31: {  	_ =	swait.ge [sflag:s7], $0xA000  }
0x32: {  	[sflag:s7] =	ssyncset.done $0x0  }
0x33: {  	[sflag:s7] =	ssyncadd.s32 $0xFFFF6000  }
0x34: {  	[hbm4b:s8+s2] =	stream.linear.scatter [tilespmem:s6], [sflag:$0x2], $0xA000, $0x38;
	[tilespmem:$0xAA00] =	vst v63  }
0x35: {  	_ =	swait.ge [sflag:s3], $0xA000  }
0x36: {  	[sflag:s3] =	ssyncset.done $0x0  }
0x37: {  	[sflag:s3] =	ssyncadd.s32 $0xFFFF6000  }
0x38: {  	[tilespmem:s2], [sflag:$0x2] =	stream.linear.gather [hbm4b:s9+s2], $0xA00, $0x38;
	[tilespmem:$0xAA00] =	vst v63  }
0x39: {  	_ =	swait.ge [sflag:s3], $0xA00  }
0x3a: {  	[sflag:s3] =	ssyncset.done $0x0  }
0x3b: {  	[sflag:s3] =	ssyncadd.s32 $0xFFFFF600  }
0x3c: {  	[tilespmem:s6], [sflag:$0x1] =	stream.indirect.gather [hbm4b:s5+s6], $0x10, s2, s6, $0xb8;
	[tilespmem:$0xAA00] =	vst v63  }
0x3d: {  	_ =	swait.ge [sflag:s7], $0xA000  }
0x3e: {  	[sflag:s7] =	ssyncset.done $0x0  }
0x3f: {  	[sflag:s7] =	ssyncadd.s32 $0xFFFF6000  }
0x40: {  	[hbm4b:s10+s2] =	stream.linear.scatter [tilespmem:s6], [sflag:$0x2], $0xA000, $0x38;
	[tilespmem:$0xAA00] =	vst v63  }
0x41: {  	_ =	swait.ge [sflag:s3], $0xA000  }
0x42: {  	[sflag:s3] =	ssyncset.done $0x0  }
0x43: {  	[sflag:s3] =	ssyncadd.s32 $0xFFFF6000  }
0x44: {  	[tilespmem:s2], [sflag:$0x2] =	stream.linear.gather [hbm4b:s11+s2], $0xA00, $0x38;
	[tilespmem:$0xAA00] =	vst v63  }
0x45: {  	_ =	swait.ge [sflag:s3], $0xA00  }
0x46: {  	[sflag:s3] =	ssyncset.done $0x0  }
0x47: {  	[sflag:s3] =	ssyncadd.s32 $0xFFFFF600  }
0x48: {  	[tilespmem:s6], [sflag:$0x1] =	stream.indirect.gather [hbm4b:s5+s6], $0x10, s2, s6, $0xb8;
	[tilespmem:$0xAA00] =	vst v63  }
0x49: {  	_ =	swait.ge [sflag:s7], $0xA000  }
.Ltmp1:
0x4a: {  	[sflag:s7] =	ssyncset.done $0x0;
	(pc) =	sbr.rel @p0 .LBB2_1-.Ltmp1, $4  }
0x4b: {  	[sflag:s7] =	ssyncadd.s32 $0xFFFF6000  }
0x4c: {  	[hbm4b:s12+s2] =	stream.linear.scatter [tilespmem:s6], [sflag:$0x2], $0xA000, $0x38;
	[tilespmem:$0xAA00] =	vst v63  }
0x4d: {  	_ =	swait.ge [sflag:s3], $0xA000  }
0x4e: {  	[sflag:s3] =	ssyncset.done $0x0  }
.LBB2_2:
0x4f: {  	[sflag:s3] =	ssyncadd.s32 $0xFFFF6000  }
0x50: {  	_ =	sfence.sel $0x180000  }
0x51: {  	[bflag:$0x0] =	sbarrier.arrive $0xFFFF  }
0x52: {  	p0 =	sne.s32 s0, $0x0;
	_ =	strace $0x90000047  }
0x53: {  	s0 =	sadd.s32 @!p0 $0x100000, s1;
	[bflag:$0x2] =	sbarrier.arrive $0xFFFF  }
0x54: {  	[sflag:s0] =	ssyncadd.tile.s32 @!p0 $0x1;
	_ =	shalt  }
.Lfunc_end2:
_tile_overlayer_lowered:
.L_overlay_start_2:
0x55: {  	(tag) =	ssettag $0x2  }
0x56: {  	s0 =	rddreg [dreg:$0x0];
	s2 =	stileid.u32  }
0x57: {  	s1 =	rddreg [dreg:$0x1];
	p0 =	sne.s32 s2, $0x0  }
0x58: {  	s3 =	rddreg [dreg:$0x2];
	[bflag:$0x3] =	sbarrier.arrive $0xFFFF;
	s2 =	simm.s32 @!p0 $0x1C02  }
0x59: {  	[timem:s3], [sflag:s2] =	dma.local @!p0 [hbm:s0], s1  }
0x5a: {  	s0 =	simm.s32 @!p0 $0x2  }
0x5b: {  	_ =	swait.ge @!p0 [sflag:s0], s1  }
0x5c: {  	s1 =	ssub.s32 @!p0 $0x0, s1;
	[sflag:s0] =	ssyncset.done @!p0 $0x0  }
0x5d: {  	[sflag:s0] =	ssyncadd.s32 @!p0 s1  }
0x5e: {  	[bflag:$0x3] =	sbarrier.arrive $0xFFFF  }
0x5f: {  	_ =	shalt  }

</sc_bundles>
